<compile_context>
chip_gen: v7x
topology: tpu7x:2x2x1
jax: 0.10.2.dev20260603
libtpu: 0.0.44.dev20260713+nightly
codegen_flags: <defaults>
</compile_context>

<pallas_src>
import jax
import jax.numpy as jnp
from jax import lax
from jax.experimental import pallas as pl
from jax.experimental.pallas import tpu as pltpu
from jax.experimental.pallas import tpu_sc as plsc

B, N, C = 4, 16384, 256
NE = 64
K = 32
NBLK = 2048
NJ = N // NBLK
SUB = 128
LANE = 128
BIG = 1 << 30
NEG = float("-inf")
NROWS = B * NE
NWORK = 32
RPW = NROWS // NWORK



def _bf16_round(v):
    u = lax.bitcast_convert_type(v, jnp.int32)
    r = (u + 0x7FFF + ((u >> 16) & 1)) & ~0xFFFF
    return lax.bitcast_convert_type(r.astype(jnp.int32), jnp.float32)

def _ka1(x_ref, ct_ref, inv_ref, s_ref):
    x2 = x_ref[0]
    ct = ct_ref[0]
    ss = jnp.sum(x2 * x2, axis=1, keepdims=True)
    nrm = jnp.maximum(jnp.sqrt(ss), 1e-12)
    inv_ref[0] = nrm
    ctn = ct / jnp.maximum(jnp.sqrt(jnp.sum(ct * ct)), 1e-12)
    xn = x2 / nrm
    s_ref[0] = lax.dot_general(
        _bf16_round(xn), _bf16_round(ctn),
        (((1,), (1,)), ((), ())),
        preferred_element_type=jnp.float32)


def _ka2(s_ref, cidx_ref, cflat_ref):
    b = pl.program_id(0)
    s2 = s_ref[0]
    r = lax.broadcasted_iota(jnp.int32, (SUB, LANE), 0)
    c = lax.broadcasted_iota(jnp.int32, (SUB, LANE), 1)
    n2d = r * LANE + c

    def body(i, s):
        m = jnp.max(s)
        sel = jnp.min(jnp.where(s == m, n2d, BIG))
        cidx_ref[0, 0, i] = sel
        cflat_ref[0, 0, i] = sel + b * N
        return jnp.where(n2d == sel, NEG, s)

    lax.fori_loop(0, NE, body, s2)


def _kg_sc(x2_ref, cflat_ref, cout_ref, idxv, rowsv, sem):
    wid = lax.axis_index("s") * 2 + lax.axis_index("c")
    base = wid * (NROWS // NWORK)
    pltpu.sync_copy(cflat_ref.at[pl.ds(base, RPW)], idxv)
    pltpu.async_copy(x2_ref.at[idxv], rowsv, sem).wait()
    pltpu.sync_copy(rowsv, cout_ref.at[pl.ds(base, RPW)])


def _kb(cidx_ref, cr_ref, inv_ref, x_ref, temp_ref, out_ref):
    j = pl.program_id(1)
    cr = cr_ref[0]
    ssc = jnp.sum(cr * cr, axis=1, keepdims=True)
    cnrm = jnp.maximum(jnp.sqrt(ssc), 1e-12)
    xb = x_ref[0]
    xnrm = inv_ref[0]
    cn = cr / cnrm
    fn = xb / xnrm
    dot = lax.dot_general(
        _bf16_round(cn), _bf16_round(fn),
        (((1,), (1,)), ((), ())),
        preferred_element_type=jnp.float32)
    sem = dot / temp_ref[0]
    nrow = j * NBLK + lax.broadcasted_iota(jnp.int32, (1, NBLK), 1)
    zn = 2.0 * (nrow >> 10).astype(jnp.float32)
    yn = ((nrow >> 5) & 31).astype(jnp.float32)
    xn = (nrow & 31).astype(jnp.float32)
    ci = cidx_ref[0, 0][:, None]
    zc = 2.0 * (ci >> 10).astype(jnp.float32)
    yc = ((ci >> 5) & 31).astype(jnp.float32)
    xc = (ci & 31).astype(jnp.float32)
    dz = zn - zc
    dy = yn - yc
    dx = xn - xc
    dist = jnp.sqrt(dz * dz + dy * dy + dx * dx)
    dzm = jnp.maximum(zc, 30.0 - zc)
    dym = jnp.maximum(yc, 31.0 - yc)
    dxm = jnp.maximum(xc, 31.0 - xc)
    maxd = jnp.sqrt(dzm * dzm + dym * dym + dxm * dxm)
    sd = dist / (maxd + 1e-8)
    out_ref[0] = 0.9 * sem + 0.1 * (1.0 - sd)


def _kt(ct_ref, v_ref, n_ref, s_ref):
    s_ref[...] = ct_ref[0]
    nco = lax.broadcasted_iota(jnp.int32, (NE, N), 1)

    def body(i, carry):
        s = s_ref[...]
        m = jnp.max(s, axis=1, keepdims=True)
        sel = jnp.min(jnp.where(s == m, nco, BIG), axis=1, keepdims=True)
        s_ref[...] = jnp.where(nco == sel, NEG, s)
        return m, sel

    m, sel = lax.fori_loop(0, K, body,
                           (jnp.zeros((NE, 1), jnp.float32),
                            jnp.zeros((NE, 1), jnp.int32)))
    v_ref[0] = m.reshape(1, NE)
    n_ref[0] = sel.reshape(1, NE)


def _kc(ct_ref, v_ref, n_ref, h_ref):
    j = pl.program_id(1)
    cb = ct_ref[0]
    v = v_ref[0, 0][:, None]
    nn = n_ref[0, 0][:, None]
    nrow = j * NBLK + lax.broadcasted_iota(jnp.int32, (1, NBLK), 1)
    keep = (cb > v) | ((cb == v) & (nrow <= nn))
    h_ref[0] = keep.astype(jnp.float32).T


def kernel(node_features, class_token, temperature):
    inv3, sarr = pl.pallas_call(
        _ka1,
        grid=(B, NJ),
        in_specs=[
            pl.BlockSpec((1, NBLK, C), lambda b, j: (b, j, 0)),
            pl.BlockSpec((1, 1, C), lambda b, j: (0, 0, 0)),
        ],
        out_specs=[
            pl.BlockSpec((1, NBLK, 1), lambda b, j: (b, j, 0)),
            pl.BlockSpec((1, NBLK, 1), lambda b, j: (b, j, 0)),
        ],
        out_shape=[
            jax.ShapeDtypeStruct((B, N, 1), jnp.float32),
            jax.ShapeDtypeStruct((B, N, 1), jnp.float32),
        ],
    )(node_features, class_token)

    cidx, cflat = pl.pallas_call(
        _ka2,
        grid=(B,),
        in_specs=[pl.BlockSpec((1, SUB, LANE), lambda b: (b, 0, 0))],
        out_specs=[
            pl.BlockSpec((1, 1, NE), lambda b: (b, 0, 0),
                         memory_space=pltpu.SMEM),
            pl.BlockSpec((1, 1, NE), lambda b: (b, 0, 0),
                         memory_space=pltpu.SMEM),
        ],
        out_shape=[
            jax.ShapeDtypeStruct((B, 1, NE), jnp.int32),
            jax.ShapeDtypeStruct((B, 1, NE), jnp.int32),
        ],
    )(sarr.reshape(B, SUB, LANE))

    mesh = plsc.VectorSubcoreMesh(core_axis_name="c", subcore_axis_name="s")
    centers_flat = pl.kernel(
        _kg_sc,
        mesh=mesh,
        out_type=jax.ShapeDtypeStruct((NROWS, C), jnp.float32),
        scratch_types=[
            pltpu.VMEM((RPW,), jnp.int32),
            pltpu.VMEM((RPW, C), jnp.float32),
            pltpu.SemaphoreType.DMA,
        ],
    )(node_features.reshape(B * N, C), cflat.reshape(NROWS))
    centers = centers_flat.reshape(B, NE, C)

    comb = pl.pallas_call(
        _kb,
        grid=(B, NJ),
        in_specs=[
            pl.BlockSpec((1, 1, NE), lambda b, j: (b, 0, 0)),
            pl.BlockSpec((1, NE, C), lambda b, j: (b, 0, 0)),
            pl.BlockSpec((1, NBLK, 1), lambda b, j: (b, j, 0)),
            pl.BlockSpec((1, NBLK, C), lambda b, j: (b, j, 0)),
            pl.BlockSpec(memory_space=pltpu.SMEM),
        ],
        out_specs=pl.BlockSpec((1, NE, NBLK), lambda b, j: (b, 0, j)),
        out_shape=jax.ShapeDtypeStruct((B, NE, N), jnp.float32),
    )(cidx, centers, inv3, node_features, temperature)

    v32, n32 = pl.pallas_call(
        _kt,
        grid=(B,),
        in_specs=[pl.BlockSpec((1, NE, N), lambda b: (b, 0, 0))],
        out_specs=[
            pl.BlockSpec((1, 1, NE), lambda b: (b, 0, 0)),
            pl.BlockSpec((1, 1, NE), lambda b: (b, 0, 0)),
        ],
        out_shape=[
            jax.ShapeDtypeStruct((B, 1, NE), jnp.float32),
            jax.ShapeDtypeStruct((B, 1, NE), jnp.int32),
        ],
        scratch_shapes=[pltpu.VMEM((NE, N), jnp.float32)],
    )(comb)

    H = pl.pallas_call(
        _kc,
        grid=(B, NJ),
        in_specs=[
            pl.BlockSpec((1, NE, NBLK), lambda b, j: (b, 0, j)),
            pl.BlockSpec((1, 1, NE), lambda b, j: (b, 0, 0)),
            pl.BlockSpec((1, 1, NE), lambda b, j: (b, 0, 0)),
        ],
        out_specs=pl.BlockSpec((1, NBLK, NE), lambda b, j: (b, j, 0)),
        out_shape=jax.ShapeDtypeStruct((B, N, NE), jnp.float32),
    )(comb, v32, n32)
    return H

# --- scband reference (transcript-rebuilt; emitter-appended) ---
"""Pipeline reference for scband-cs-knn-3-d-58557584113736 (READ-ONLY COPY).

The authoritative reference and input builder live on the scoring server;
editing this copy changes nothing except your own understanding.
"""

import jax, jax.numpy as jnp
import numpy as np

EMBED_DIM = 256
NUM_HYPEREDGES = 64
K = 32
SPATIAL_SHAPE = (16, 32, 32)
SPACING = (2.0, 1.0, 1.0)
SPATIAL_WEIGHT = 0.1
B, N, C = 4, 16384, 256


def setup_inputs(seed: int = 0) -> dict:
    key = jax.random.key(seed)
    k1, k2 = jax.random.split(key)
    node_features = jax.random.normal(k1, (B, N, C), dtype=jnp.float32)
    class_token = jax.random.normal(k2, (1, 1, EMBED_DIM), dtype=jnp.float32)
    temperature = jnp.ones((1,), dtype=jnp.float32) * 0.07
    return {"node_features": node_features, "class_token": class_token, "temperature": temperature}


def _normalize(x):
    n = jnp.sqrt(jnp.sum(x * x, axis=-1, keepdims=True))
    return x / jnp.maximum(n, 1e-12)


def _sim(q, keys, temperature):
    qn = _normalize(q)
    kn = _normalize(keys)
    s = jnp.einsum('bqc,bnc->bqn', qn, kn)
    return s / temperature


def _coords_3d():
    D, Hh, W = SPATIAL_SHAPE
    z = jnp.arange(D, dtype=jnp.float32) * SPACING[0]
    y = jnp.arange(Hh, dtype=jnp.float32) * SPACING[1]
    x = jnp.arange(W, dtype=jnp.float32) * SPACING[2]
    zz, yy, xx = jnp.meshgrid(z, y, x, indexing='ij')
    coords = jnp.stack([zz, yy, xx], axis=-1)
    return coords.reshape(-1, 3)


def reference(node_features, class_token, temperature):
    Bb, Nn, Cc = node_features.shape
    Ne = NUM_HYPEREDGES
    k_centers = min(Ne, Nn)
    ct = jnp.broadcast_to(class_token, (Bb, 1, Cc))
    semantic_scores = _sim(ct, node_features, temperature)[:, 0, :]  # (B, N)
    _, center_indices = jax.lax.top_k(semantic_scores, k_centers)  # (B, k_centers)
    centers = jnp.take_along_axis(node_features, center_indices[:, :, None], axis=1)  # (B, k_centers, C)
    coords = _coords_3d()  # (N, 3)
    Hm = jnp.zeros((Bb, Nn, Ne), dtype=jnp.float32)
    k_neighbors = min(K, Nn)
    bidx = jnp.arange(Bb)[:, None]
    for i in range(k_centers):
        center_feat = centers[:, i:i + 1, :]  # (B, 1, C)
        semantic_sim = _sim(center_feat, node_features, temperature)[:, 0, :]  # (B, N)
        center_idx = center_indices[:, i]  # (B,)
        center_coord = coords[center_idx]  # (B, 3)
        diff = coords[None, :, :] - center_coord[:, None, :]  # (B, N, 3)
        spatial_dist = jnp.sqrt(jnp.sum(diff * diff, axis=-1))  # (B, N)
        spatial_dist = spatial_dist / (jnp.max(spatial_dist, axis=1, keepdims=True) + 1e-08)
        combined = (1.0 - SPATIAL_WEIGHT) * semantic_sim + SPATIAL_WEIGHT * (1.0 - spatial_dist)
        _, neighbor_indices = jax.lax.top_k(combined, k_neighbors)  # (B, K)
        Hm = Hm.at[bidx, neighbor_indices, i].set(1.0)
    return Hm

if __name__ == "__main__":
    import jax
    _d = setup_inputs()
    print(jax.jit(kernel)(*tuple(_d.values())))

</pallas_src>

<mosaic_0001>
#map = affine_map<(d0, d1) -> (0, 0)>
#map1 = affine_map<(d0, d1) -> (0)>
module attributes {stable_mosaic.version = 14 : i64} {
  func.func @_kg_sc(%arg0: i32, %arg1: i32, %arg2: memref<65536x256xf32, #tpu.memory_space<hbm>>, %arg3: memref<256xi32, #tpu.memory_space<hbm>>, %arg4: memref<256x256xf32, #tpu.memory_space<hbm>>, %arg5: memref<8xi32, #tpu.memory_space<vmem>>, %arg6: memref<8x256xf32, #tpu.memory_space<vmem>>, %arg7: memref<!tpu.dma_semaphore, #tpu.memory_space<semaphore_mem>>) attributes {dimension_semantics = [#tpu.dimension_semantics<core_parallel>, #tpu.dimension_semantics<subcore_parallel>], iteration_bounds = array<i64: 2, 16>, scalar_prefetch = 0 : i64, scratch_operands = 3 : i64, tpu.core_type = #tpu.core_type<sc_vector_subcore>, window_params = [{transform_indices = #map}, {transform_indices = #map1}, {transform_indices = #map}]} {
    %mul3A = arith.constant 2 : i32
    %mul3A_0 = arith.muli %arg1, %mul3A : i32
    %add3A = arith.addi %mul3A_0, %arg0 : i32
    %mul3A_1 = arith.constant 8 : i32
    %mul3A_2 = arith.muli %add3A, %mul3A_1 : i32
    "tpu.region"() ({
      %run_scoped3A = tpu.sem_alloc : memref<!tpu.dma_semaphore, #tpu.memory_space<semaphore_mem>>
      %dma_start3A_7 = tpu.memref_slice %arg3[%mul3A_2] : memref<256xi32, #tpu.memory_space<hbm>> -> memref<8xi32, #tpu.memory_space<hbm>>
      %dma_start3A_8 = tpu.memref_slice %arg3[%mul3A_2] : memref<256xi32, #tpu.memory_space<hbm>> -> memref<8xi32, #tpu.memory_space<hbm>>
      tpu.enqueue_dma source(%dma_start3A_8 : memref<8xi32, #tpu.memory_space<hbm>>) target(%arg5 : memref<8xi32, #tpu.memory_space<vmem>>) target_semaphore(%run_scoped3A : memref<!tpu.dma_semaphore, #tpu.memory_space<semaphore_mem>>)
      %dma_wait3A_9 = tpu.memref_slice %arg3[%mul3A_2] : memref<256xi32, #tpu.memory_space<hbm>> -> memref<8xi32, #tpu.memory_space<hbm>>
      %dma_wait3A_10 = tpu.memref_slice %arg3[%mul3A_2] : memref<256xi32, #tpu.memory_space<hbm>> -> memref<8xi32, #tpu.memory_space<hbm>>
      tpu.wait_dma2 semaphore(%run_scoped3A : memref<!tpu.dma_semaphore, #tpu.memory_space<semaphore_mem>>) src(%dma_wait3A_10 : memref<8xi32, #tpu.memory_space<hbm>>) dst(%arg5 : memref<8xi32, #tpu.memory_space<vmem>>)
      tpu.yield
    }) : () -> ()
    %dma_start3A = arith.constant 0 : i32
    %dma_start3A_3 = arith.constant 0 : i32
    %dma_start3A_4 = tpu.memref_slice %arg2[%dma_start3A, %dma_start3A_3] : memref<65536x256xf32, #tpu.memory_space<hbm>> -> memref<65536x256xf32, #tpu.memory_space<hbm>>
    tpu.enqueue_indirect_dma source(%dma_start3A_4 : memref<65536x256xf32, #tpu.memory_space<hbm>>) target(%arg6 : memref<8x256xf32, #tpu.memory_space<vmem>>) offsets(%arg5 : memref<8xi32, #tpu.memory_space<vmem>>) semaphore(%arg7 : memref<!tpu.dma_semaphore, #tpu.memory_space<semaphore_mem>>)
    %dma_wait3A = arith.constant 0 : i32
    %dma_wait3A_5 = arith.constant 0 : i32
    %dma_wait3A_6 = tpu.memref_slice %arg2[%dma_wait3A, %dma_wait3A_5] : memref<65536x256xf32, #tpu.memory_space<hbm>> -> memref<65536x256xf32, #tpu.memory_space<hbm>>
    tpu.wait_indirect_dma semaphore(%arg7 : memref<!tpu.dma_semaphore, #tpu.memory_space<semaphore_mem>>) src(%dma_wait3A_6 : memref<65536x256xf32, #tpu.memory_space<hbm>>) dst(%arg6 : memref<8x256xf32, #tpu.memory_space<vmem>>)
    "tpu.region"() ({
      %run_scoped3A = tpu.sem_alloc : memref<!tpu.dma_semaphore, #tpu.memory_space<semaphore_mem>>
      %dma_start3A_7 = arith.constant 0 : i32
      %dma_start3A_8 = tpu.memref_slice %arg4[%mul3A_2, %dma_start3A_7] : memref<256x256xf32, #tpu.memory_space<hbm>> -> memref<8x256xf32, #tpu.memory_space<hbm>>
      %dma_start3A_9 = arith.constant 0 : i32
      %dma_start3A_10 = tpu.memref_slice %arg4[%mul3A_2, %dma_start3A_9] : memref<256x256xf32, #tpu.memory_space<hbm>> -> memref<8x256xf32, #tpu.memory_space<hbm>>
      tpu.enqueue_dma source(%arg6 : memref<8x256xf32, #tpu.memory_space<vmem>>) target(%dma_start3A_10 : memref<8x256xf32, #tpu.memory_space<hbm>>) target_semaphore(%run_scoped3A : memref<!tpu.dma_semaphore, #tpu.memory_space<semaphore_mem>>)
      %dma_wait3A_11 = arith.constant 0 : i32
      %dma_wait3A_12 = tpu.memref_slice %arg4[%mul3A_2, %dma_wait3A_11] : memref<256x256xf32, #tpu.memory_space<hbm>> -> memref<8x256xf32, #tpu.memory_space<hbm>>
      %dma_wait3A_13 = arith.constant 0 : i32
      %dma_wait3A_14 = tpu.memref_slice %arg4[%mul3A_2, %dma_wait3A_13] : memref<256x256xf32, #tpu.memory_space<hbm>> -> memref<8x256xf32, #tpu.memory_space<hbm>>
      tpu.wait_dma2 semaphore(%run_scoped3A : memref<!tpu.dma_semaphore, #tpu.memory_space<semaphore_mem>>) src(%arg6 : memref<8x256xf32, #tpu.memory_space<vmem>>) dst(%dma_wait3A_14 : memref<8x256xf32, #tpu.memory_space<hbm>>)
      tpu.yield
    }) : () -> ()
    return
  }
}

module attributes {stable_mosaic.version = 14 : i64} {
  func.func @_ka1(%arg0: i32, %arg1: i32, %arg2: memref<1x2048x256xf32, #tpu.memory_space<vmem>>, %arg3: memref<1x1x256xf32, #tpu.memory_space<vmem>>, %arg4: memref<1x2048x1xf32, #tpu.memory_space<vmem>>, %arg5: memref<1x2048x1xf32, #tpu.memory_space<vmem>>) attributes {dimension_semantics = [#tpu.dimension_semantics<arbitrary>, #tpu.dimension_semantics<arbitrary>], iteration_bounds = array<i64: 4, 8>, scalar_prefetch = 0 : i64, scratch_operands = 0 : i64, tpu.core_type = #tpu.core_type<tc>, window_params = [{transform_indices = @transform_0, window_bounds = array<i64: 1, 2048, 256>}, {pipeline_mode = #tpu.pipeline_mode<synchronous>, transform_indices = @transform_1, window_bounds = array<i64: 1, 1, 256>}, {transform_indices = @transform_2, window_bounds = array<i64: 1, 2048, 1>}, {transform_indices = @transform_3, window_bounds = array<i64: 1, 2048, 1>}]} {
    %get3A = arith.constant 0 : index
    %get3A_0 = arith.constant 0 : index
    %get3A_1 = arith.constant 0 : index
    %get3A_2 = vector.load %arg2[%get3A, %get3A_0, %get3A_1] : memref<1x2048x256xf32, #tpu.memory_space<vmem>>, vector<1x2048x256xf32>
    %get3A_3 = vector.shape_cast %get3A_2 : vector<1x2048x256xf32> to vector<2048x256xf32>
    %get3A_4 = arith.constant 0 : index
    %get3A_5 = arith.constant 0 : index
    %get3A_6 = arith.constant 0 : index
    %get3A_7 = vector.load %arg3[%get3A_4, %get3A_5, %get3A_6] : memref<1x1x256xf32, #tpu.memory_space<vmem>>, vector<1x1x256xf32>
    %get3A_8 = vector.shape_cast %get3A_7 : vector<1x1x256xf32> to vector<1x256xf32>
    %mul3A = arith.mulf %get3A_3, %get3A_3 : vector<2048x256xf32>
    %reduce_sum3A = arith.constant dense<0.000000e+00> : vector<2048xf32>
    %reduce_sum3A_9 = vector.multi_reduction <add>, %mul3A, %reduce_sum3A [1] : vector<2048x256xf32> to vector<2048xf32>
    %broadcast_in_dim3A = vector.shape_cast %reduce_sum3A_9 : vector<2048xf32> to vector<2048x1xf32>
    %sqrt3A = math.sqrt %broadcast_in_dim3A : vector<2048x1xf32>
    %max3A = arith.constant 9.99999996E-13 : f32
    %max3A_10 = vector.broadcast %max3A : f32 to vector<2048x1xf32>
    %max3A_11 = arith.maximumf %sqrt3A, %max3A_10 : vector<2048x1xf32>
    %swap3A = arith.constant 0 : index
    %swap3A_12 = arith.constant 0 : index
    %swap3A_13 = arith.constant 0 : index
    %swap3A_14 = vector.load %arg4[%swap3A, %swap3A_12, %swap3A_13] : memref<1x2048x1xf32, #tpu.memory_space<vmem>>, vector<1x2048x1xf32>
    %swap3A_15 = vector.shape_cast %swap3A_14 : vector<1x2048x1xf32> to vector<2048x1xf32>
    %swap3A_16 = vector.shape_cast %max3A_11 : vector<2048x1xf32> to vector<1x2048x1xf32>
    tpu.vector_store %arg4[%swap3A, %swap3A_12, %swap3A_13], %swap3A_16 {strides = array<i32>} : memref<1x2048x1xf32, #tpu.memory_space<vmem>>, vector<1x2048x1xf32>,
    %mul3A_17 = arith.mulf %get3A_8, %get3A_8 : vector<1x256xf32>
    %reduce_sum3A_18 = vector.shape_cast %mul3A_17 : vector<1x256xf32> to vector<1x1x256xf32>
    %reduce_sum3A_19 = arith.constant dense<0.000000e+00> : vector<1xf32>
    %reduce_sum3A_20 = vector.multi_reduction <add>, %reduce_sum3A_18, %reduce_sum3A_19 [1, 2] : vector<1x1x256xf32> to vector<1xf32>
    %reduce_sum3A_21 = vector.shape_cast %reduce_sum3A_20 : vector<1xf32> to vector<1x1x1xf32>
    %reduce_sum3A_22 = vector.extract %reduce_sum3A_21[0, 0, 0] : f32 from vector<1x1x1xf32>
    %sqrt3A_23 = math.sqrt %reduce_sum3A_22 : f32
    %max3A_24 = arith.constant 9.99999996E-13 : f32
    %max3A_25 = arith.maximumf %sqrt3A_23, %max3A_24 : f32
    %div3A = vector.broadcast %max3A_25 : f32 to vector<1x256xf32>
    %div3A_26 = arith.divf %get3A_8, %div3A : vector<1x256xf32>
    %div3A_27 = vector.broadcast %max3A_11 : vector<2048x1xf32> to vector<2048x256xf32>
    %div3A_28 = arith.divf %get3A_3, %div3A_27 : vector<2048x256xf32>
    %bitcast_convert_type3A = tpu.bitcast %div3A_28 : vector<2048x256xf32> -> vector<2048x256xi32>
    %add3A = arith.constant 32767 : i32
    %add3A_29 = vector.broadcast %add3A : i32 to vector<2048x256xi32>
    %add3A_30 = arith.addi %bitcast_convert_type3A, %add3A_29 : vector<2048x256xi32>
    %shift_right_arithmetic3A = arith.constant 16 : i32
    %shift_right_arithmetic3A_31 = vector.broadcast %shift_right_arithmetic3A : i32 to vector<2048x256xi32>
    %shift_right_arithmetic3A_32 = arith.shrsi %bitcast_convert_type3A, %shift_right_arithmetic3A_31 : vector<2048x256xi32>
    %and3A = arith.constant 1 : i32
    %and3A_33 = vector.broadcast %and3A : i32 to vector<2048x256xi32>
    %and3A_34 = arith.andi %shift_right_arithmetic3A_32, %and3A_33 : vector<2048x256xi32>
    %add3A_35 = arith.addi %add3A_30, %and3A_34 : vector<2048x256xi32>
    %and3A_36 = arith.constant -65536 : i32
    %and3A_37 = vector.broadcast %and3A_36 : i32 to vector<2048x256xi32>
    %and3A_38 = arith.andi %add3A_35, %and3A_37 : vector<2048x256xi32>
    %bitcast_convert_type3A_39 = tpu.bitcast %and3A_38 : vector<2048x256xi32> -> vector<2048x256xf32>
    %bitcast_convert_type3A_40 = tpu.bitcast %div3A_26 : vector<1x256xf32> -> vector<1x256xi32>
    %add3A_41 = arith.constant 32767 : i32
    %add3A_42 = vector.broadcast %add3A_41 : i32 to vector<1x256xi32>
    %add3A_43 = arith.addi %bitcast_convert_type3A_40, %add3A_42 : vector<1x256xi32>
    %shift_right_arithmetic3A_44 = arith.constant 16 : i32
    %shift_right_arithmetic3A_45 = vector.broadcast %shift_right_arithmetic3A_44 : i32 to vector<1x256xi32>
    %shift_right_arithmetic3A_46 = arith.shrsi %bitcast_convert_type3A_40, %shift_right_arithmetic3A_45 : vector<1x256xi32>
    %and3A_47 = arith.constant 1 : i32
    %and3A_48 = vector.broadcast %and3A_47 : i32 to vector<1x256xi32>
    %and3A_49 = arith.andi %shift_right_arithmetic3A_46, %and3A_48 : vector<1x256xi32>
    %add3A_50 = arith.addi %add3A_43, %and3A_49 : vector<1x256xi32>
    %and3A_51 = arith.constant -65536 : i32
    %and3A_52 = vector.broadcast %and3A_51 : i32 to vector<1x256xi32>
    %and3A_53 = arith.andi %add3A_50, %and3A_52 : vector<1x256xi32>
    %bitcast_convert_type3A_54 = tpu.bitcast %and3A_53 : vector<1x256xi32> -> vector<1x256xf32>
    %dot_general3A = arith.constant dense<0.000000e+00> : vector<2048x1xf32>
    %dot_general3A_55 = tpu.matmul %bitcast_convert_type3A_39, %bitcast_convert_type3A_54, %dot_general3A {dimension_numbers = #tpu.dot_dimension_numbers<[1], [1], [0], [0], [0, 0, 1, 0], [], []>, transpose_lhs_hint = false} : vector<2048x256xf32>, vector<1x256xf32>, vector<2048x1xf32> -> vector<2048x1xf32>
    %swap3A_56 = arith.constant 0 : index
    %swap3A_57 = arith.constant 0 : index
    %swap3A_58 = arith.constant 0 : index
    %swap3A_59 = vector.load %arg5[%swap3A_56, %swap3A_57, %swap3A_58] : memref<1x2048x1xf32, #tpu.memory_space<vmem>>, vector<1x2048x1xf32>
    %swap3A_60 = vector.shape_cast %swap3A_59 : vector<1x2048x1xf32> to vector<2048x1xf32>
    %swap3A_61 = vector.shape_cast %dot_general3A_55 : vector<2048x1xf32> to vector<1x2048x1xf32>
    tpu.vector_store %arg5[%swap3A_56, %swap3A_57, %swap3A_58], %swap3A_61 {strides = array<i32>} : memref<1x2048x1xf32, #tpu.memory_space<vmem>>, vector<1x2048x1xf32>,
    return
  }
  func.func @transform_0(%arg0: i32, %arg1: i32) -> (i32, i32, i32) {
    %c0_i32 = arith.constant 0 : i32
    %c0_i32_0 = arith.constant 0 : i32
    return %arg0, %arg1, %c0_i32 : i32, i32, i32
  }
  func.func @transform_1(%arg0: i32, %arg1: i32) -> (i32, i32, i32) {
    %c0_i32 = arith.constant 0 : i32
    %c0_i32_0 = arith.constant 0 : i32
    %c0_i32_1 = arith.constant 0 : i32
    %c0_i32_2 = arith.constant 0 : i32
    return %c0_i32, %c0_i32_0, %c0_i32_1 : i32, i32, i32
  }
  func.func @transform_2(%arg0: i32, %arg1: i32) -> (i32, i32, i32) {
    %c0_i32 = arith.constant 0 : i32
    %c0_i32_0 = arith.constant 0 : i32
    return %arg0, %arg1, %c0_i32 : i32, i32, i32
  }
  func.func @transform_3(%arg0: i32, %arg1: i32) -> (i32, i32, i32) {
    %c0_i32 = arith.constant 0 : i32
    %c0_i32_0 = arith.constant 0 : i32
    return %arg0, %arg1, %c0_i32 : i32, i32, i32
  }
}

module attributes {stable_mosaic.version = 14 : i64} {
  func.func @_ka2(%arg0: i32, %arg1: memref<1x128x128xf32, #tpu.memory_space<vmem>>, %arg2: memref<1x1x64xi32, #tpu.memory_space<smem>>, %arg3: memref<1x1x64xi32, #tpu.memory_space<smem>>) attributes {dimension_semantics = [#tpu.dimension_semantics<arbitrary>], iteration_bounds = array<i64: 4>, scalar_prefetch = 0 : i64, scratch_operands = 0 : i64, tpu.core_type = #tpu.core_type<tc>, window_params = [{transform_indices = @transform_0, window_bounds = array<i64: 1, 128, 128>}, {transform_indices = @transform_1, window_bounds = array<i64: 1, 1, 64>}, {transform_indices = @transform_2, window_bounds = array<i64: 1, 1, 64>}]} {
    %get3A = arith.constant 0 : index
    %get3A_0 = arith.constant 0 : index
    %get3A_1 = arith.constant 0 : index
    %get3A_2 = vector.load %arg1[%get3A, %get3A_0, %get3A_1] : memref<1x128x128xf32, #tpu.memory_space<vmem>>, vector<1x128x128xf32>
    %get3A_3 = vector.shape_cast %get3A_2 : vector<1x128x128xf32> to vector<128x128xf32>
    %iota3A = tpu.iota {dimensions = array<i32: 0>} : vector<128x128xi32>
    %iota3A_4 = tpu.iota {dimensions = array<i32: 1>} : vector<128x128xi32>
    %mul3A = arith.constant 128 : i32
    %mul3A_5 = vector.broadcast %mul3A : i32 to vector<128x128xi32>
    %mul3A_6 = arith.muli %iota3A, %mul3A_5 : vector<128x128xi32>
    %add3A = arith.addi %mul3A_6, %iota3A_4 : vector<128x128xi32>
    %scan3A = arith.constant 0 : i32
    %scan3A_7 = arith.constant 64 : i32
    %scan3A_8 = arith.addi %scan3A, %scan3A_7 : i32
    %scan3A_9 = arith.constant 1 : i32
    %scan3A_10 = scf.for %scan3A_12 = %scan3A to %scan3A_8 step %scan3A_9 iter_args(%scan3A_13 = %get3A_3) -> (vector<128x128xf32>)  : i32 {
      %reduce_max3A = vector.shape_cast %scan3A_13 : vector<128x128xf32> to vector<1x128x128xf32>
      %reduce_max3A_14 = arith.constant dense<0xFF800000> : vector<1xf32>
      %reduce_max3A_15 = vector.multi_reduction <maximumf>, %reduce_max3A, %reduce_max3A_14 [1, 2] : vector<1x128x128xf32> to vector<1xf32>
      %reduce_max3A_16 = vector.shape_cast %reduce_max3A_15 : vector<1xf32> to vector<1x1x1xf32>
      %reduce_max3A_17 = vector.extract %reduce_max3A_16[0, 0, 0] : f32 from vector<1x1x1xf32>
      %eq3A = vector.broadcast %reduce_max3A_17 : f32 to vector<128x128xf32>
      %eq3A_18 = arith.cmpf oeq, %scan3A_13, %eq3A : vector<128x128xf32>
      %jit3A = arith.constant 1073741824 : i32
      %broadcast_in_dim3A = vector.broadcast %jit3A : i32 to vector<128x128xi32>
      %select_n3A = arith.select %eq3A_18, %add3A, %broadcast_in_dim3A : vector<128x128xi1>, vector<128x128xi32>
      %reduce_min3A = vector.shape_cast %select_n3A : vector<128x128xi32> to vector<1x128x128xi32>
      %reduce_min3A_19 = arith.constant dense<2147483647> : vector<1xi32>
      %reduce_min3A_20 = vector.multi_reduction <minsi>, %reduce_min3A, %reduce_min3A_19 [1, 2] : vector<1x128x128xi32> to vector<1xi32>
      %reduce_min3A_21 = vector.shape_cast %reduce_min3A_20 : vector<1xi32> to vector<1x1x1xi32>
      %reduce_min3A_22 = vector.extract %reduce_min3A_21[0, 0, 0] : i32 from vector<1x1x1xi32>
      %swap3A = arith.constant 0 : index
      %swap3A_23 = arith.constant 0 : index
      %swap3A_24 = arith.index_cast %scan3A_12 : i32 to index
      %swap3A_25 = memref.load %arg2[%swap3A, %swap3A_23, %swap3A_24] : memref<1x1x64xi32, #tpu.memory_space<smem>>
      memref.store %reduce_min3A_22, %arg2[%swap3A, %swap3A_23, %swap3A_24] : memref<1x1x64xi32, #tpu.memory_space<smem>>
      %mul3A_26 = arith.constant 16384 : i32
      %mul3A_27 = arith.muli %arg0, %mul3A_26 : i32
      %add3A_28 = arith.addi %reduce_min3A_22, %mul3A_27 : i32
      %swap3A_29 = arith.constant 0 : index
      %swap3A_30 = arith.constant 0 : index
      %swap3A_31 = arith.index_cast %scan3A_12 : i32 to index
      %swap3A_32 = memref.load %arg3[%swap3A_29, %swap3A_30, %swap3A_31] : memref<1x1x64xi32, #tpu.memory_space<smem>>
      memref.store %add3A_28, %arg3[%swap3A_29, %swap3A_30, %swap3A_31] : memref<1x1x64xi32, #tpu.memory_space<smem>>
      %eq3A_33 = vector.broadcast %reduce_min3A_22 : i32 to vector<128x128xi32>
      %eq3A_34 = arith.cmpi eq, %add3A, %eq3A_33 : vector<128x128xi32>
      %jit3A_35 = arith.constant 0xFF800000 : f32
      %broadcast_in_dim3A_36 = vector.broadcast %jit3A_35 : f32 to vector<128x128xf32>
      %select_n3A_37 = arith.select %eq3A_34, %broadcast_in_dim3A_36, %scan3A_13 : vector<128x128xi1>, vector<128x128xf32>
      scf.yield %select_n3A_37 : vector<128x128xf32>
    }
    %scan3A_11 = arith.constant 64 : i32
    return
  }
  func.func @transform_0(%arg0: i32) -> (i32, i32, i32) {
    %c0_i32 = arith.constant 0 : i32
    %c0_i32_0 = arith.constant 0 : i32
    %c0_i32_1 = arith.constant 0 : i32
    return %arg0, %c0_i32, %c0_i32_0 : i32, i32, i32
  }
  func.func @transform_1(%arg0: i32) -> (i32, i32, i32) {
    %c0_i32 = arith.constant 0 : i32
    %c0_i32_0 = arith.constant 0 : i32
    %c0_i32_1 = arith.constant 0 : i32
    return %arg0, %c0_i32, %c0_i32_0 : i32, i32, i32
  }
  func.func @transform_2(%arg0: i32) -> (i32, i32, i32) {
    %c0_i32 = arith.constant 0 : i32
    %c0_i32_0 = arith.constant 0 : i32
    %c0_i32_1 = arith.constant 0 : i32
    return %arg0, %c0_i32, %c0_i32_0 : i32, i32, i32
  }
}

module attributes {stable_mosaic.version = 14 : i64} {
  func.func @_kb(%arg0: i32, %arg1: i32, %arg2: memref<1x1x64xi32, #tpu.memory_space<vmem>>, %arg3: memref<1x64x256xf32, #tpu.memory_space<vmem>>, %arg4: memref<1x2048x1xf32, #tpu.memory_space<vmem>>, %arg5: memref<1x2048x256xf32, #tpu.memory_space<vmem>>, %arg6: memref<1xf32, #tpu.memory_space<smem>>, %arg7: memref<1x64x2048xf32, #tpu.memory_space<vmem>>) attributes {dimension_semantics = [#tpu.dimension_semantics<arbitrary>, #tpu.dimension_semantics<arbitrary>], iteration_bounds = array<i64: 4, 8>, scalar_prefetch = 0 : i64, scratch_operands = 0 : i64, tpu.core_type = #tpu.core_type<tc>, window_params = [{transform_indices = @transform_0, window_bounds = array<i64: 1, 1, 64>}, {transform_indices = @transform_1, window_bounds = array<i64: 1, 64, 256>}, {transform_indices = @transform_2, window_bounds = array<i64: 1, 2048, 1>}, {transform_indices = @transform_3, window_bounds = array<i64: 1, 2048, 256>}, {transform_indices = @transform_4, window_bounds = array<i64: 1>}, {transform_indices = @transform_5, window_bounds = array<i64: 1, 64, 2048>}]} {
    %get3A = arith.constant 0 : index
    %get3A_0 = arith.constant 0 : index
    %get3A_1 = arith.constant 0 : index
    %get3A_2 = vector.load %arg3[%get3A, %get3A_0, %get3A_1] : memref<1x64x256xf32, #tpu.memory_space<vmem>>, vector<1x64x256xf32>
    %get3A_3 = vector.shape_cast %get3A_2 : vector<1x64x256xf32> to vector<64x256xf32>
    %mul3A = arith.mulf %get3A_3, %get3A_3 : vector<64x256xf32>
    %reduce_sum3A = arith.constant dense<0.000000e+00> : vector<64xf32>
    %reduce_sum3A_4 = vector.multi_reduction <add>, %mul3A, %reduce_sum3A [1] : vector<64x256xf32> to vector<64xf32>
    %broadcast_in_dim3A = vector.shape_cast %reduce_sum3A_4 : vector<64xf32> to vector<64x1xf32>
    %sqrt3A = math.sqrt %broadcast_in_dim3A : vector<64x1xf32>
    %max3A = arith.constant 9.99999996E-13 : f32
    %max3A_5 = vector.broadcast %max3A : f32 to vector<64x1xf32>
    %max3A_6 = arith.maximumf %sqrt3A, %max3A_5 : vector<64x1xf32>
    %get3A_7 = arith.constant 0 : index
    %get3A_8 = arith.constant 0 : index
    %get3A_9 = arith.constant 0 : index
    %get3A_10 = vector.load %arg5[%get3A_7, %get3A_8, %get3A_9] : memref<1x2048x256xf32, #tpu.memory_space<vmem>>, vector<1x2048x256xf32>
    %get3A_11 = vector.shape_cast %get3A_10 : vector<1x2048x256xf32> to vector<2048x256xf32>
    %get3A_12 = arith.constant 0 : index
    %get3A_13 = arith.constant 0 : index
    %get3A_14 = arith.constant 0 : index
    %get3A_15 = vector.load %arg4[%get3A_12, %get3A_13, %get3A_14] : memref<1x2048x1xf32, #tpu.memory_space<vmem>>, vector<1x2048x1xf32>
    %get3A_16 = vector.shape_cast %get3A_15 : vector<1x2048x1xf32> to vector<2048x1xf32>
    %div3A = vector.broadcast %max3A_6 : vector<64x1xf32> to vector<64x256xf32>
    %div3A_17 = arith.divf %get3A_3, %div3A : vector<64x256xf32>
    %div3A_18 = vector.broadcast %get3A_16 : vector<2048x1xf32> to vector<2048x256xf32>
    %div3A_19 = arith.divf %get3A_11, %div3A_18 : vector<2048x256xf32>
    %bitcast_convert_type3A = tpu.bitcast %div3A_17 : vector<64x256xf32> -> vector<64x256xi32>
    %add3A = arith.constant 32767 : i32
    %add3A_20 = vector.broadcast %add3A : i32 to vector<64x256xi32>
    %add3A_21 = arith.addi %bitcast_convert_type3A, %add3A_20 : vector<64x256xi32>
    %shift_right_arithmetic3A = arith.constant 16 : i32
    %shift_right_arithmetic3A_22 = vector.broadcast %shift_right_arithmetic3A : i32 to vector<64x256xi32>
    %shift_right_arithmetic3A_23 = arith.shrsi %bitcast_convert_type3A, %shift_right_arithmetic3A_22 : vector<64x256xi32>
    %and3A = arith.constant 1 : i32
    %and3A_24 = vector.broadcast %and3A : i32 to vector<64x256xi32>
    %and3A_25 = arith.andi %shift_right_arithmetic3A_23, %and3A_24 : vector<64x256xi32>
    %add3A_26 = arith.addi %add3A_21, %and3A_25 : vector<64x256xi32>
    %and3A_27 = arith.constant -65536 : i32
    %and3A_28 = vector.broadcast %and3A_27 : i32 to vector<64x256xi32>
    %and3A_29 = arith.andi %add3A_26, %and3A_28 : vector<64x256xi32>
    %bitcast_convert_type3A_30 = tpu.bitcast %and3A_29 : vector<64x256xi32> -> vector<64x256xf32>
    %bitcast_convert_type3A_31 = tpu.bitcast %div3A_19 : vector<2048x256xf32> -> vector<2048x256xi32>
    %add3A_32 = arith.constant 32767 : i32
    %add3A_33 = vector.broadcast %add3A_32 : i32 to vector<2048x256xi32>
    %add3A_34 = arith.addi %bitcast_convert_type3A_31, %add3A_33 : vector<2048x256xi32>
    %shift_right_arithmetic3A_35 = arith.constant 16 : i32
    %shift_right_arithmetic3A_36 = vector.broadcast %shift_right_arithmetic3A_35 : i32 to vector<2048x256xi32>
    %shift_right_arithmetic3A_37 = arith.shrsi %bitcast_convert_type3A_31, %shift_right_arithmetic3A_36 : vector<2048x256xi32>
    %and3A_38 = arith.constant 1 : i32
    %and3A_39 = vector.broadcast %and3A_38 : i32 to vector<2048x256xi32>
    %and3A_40 = arith.andi %shift_right_arithmetic3A_37, %and3A_39 : vector<2048x256xi32>
    %add3A_41 = arith.addi %add3A_34, %and3A_40 : vector<2048x256xi32>
    %and3A_42 = arith.constant -65536 : i32
    %and3A_43 = vector.broadcast %and3A_42 : i32 to vector<2048x256xi32>
    %and3A_44 = arith.andi %add3A_41, %and3A_43 : vector<2048x256xi32>
    %bitcast_convert_type3A_45 = tpu.bitcast %and3A_44 : vector<2048x256xi32> -> vector<2048x256xf32>
    %dot_general3A = arith.constant dense<0.000000e+00> : vector<64x2048xf32>
    %dot_general3A_46 = tpu.matmul %bitcast_convert_type3A_30, %bitcast_convert_type3A_45, %dot_general3A {dimension_numbers = #tpu.dot_dimension_numbers<[1], [1], [0], [0], [0, 0, 1, 0], [], []>, transpose_lhs_hint = false} : vector<64x256xf32>, vector<2048x256xf32>, vector<64x2048xf32> -> vector<64x2048xf32>
    %get3A_47 = arith.constant 0 : index
    %get3A_48 = memref.load %arg6[%get3A_47] : memref<1xf32, #tpu.memory_space<smem>>
    %div3A_49 = vector.broadcast %get3A_48 : f32 to vector<64x2048xf32>
    %div3A_50 = arith.divf %dot_general3A_46, %div3A_49 : vector<64x2048xf32>
    %mul3A_51 = arith.constant 2048 : i32
    %mul3A_52 = arith.muli %arg1, %mul3A_51 : i32
    %iota3A = tpu.iota {dimensions = array<i32: 1>} : vector<1x2048xi32>
    %add3A_53 = vector.broadcast %mul3A_52 : i32 to vector<1x2048xi32>
    %add3A_54 = arith.addi %add3A_53, %iota3A : vector<1x2048xi32>
    %shift_right_arithmetic3A_55 = arith.constant 10 : i32
    %shift_right_arithmetic3A_56 = vector.broadcast %shift_right_arithmetic3A_55 : i32 to vector<1x2048xi32>
    %shift_right_arithmetic3A_57 = arith.shrsi %add3A_54, %shift_right_arithmetic3A_56 : vector<1x2048xi32>
    %convert_element_type3A = arith.sitofp %shift_right_arithmetic3A_57 : vector<1x2048xi32> to vector<1x2048xf32>
    %mul3A_58 = arith.constant 2.000000e+00 : f32
    %mul3A_59 = vector.broadcast %mul3A_58 : f32 to vector<1x2048xf32>
    %mul3A_60 = arith.mulf %mul3A_59, %convert_element_type3A : vector<1x2048xf32>
    %shift_right_arithmetic3A_61 = arith.constant 5 : i32
    %shift_right_arithmetic3A_62 = vector.broadcast %shift_right_arithmetic3A_61 : i32 to vector<1x2048xi32>
    %shift_right_arithmetic3A_63 = arith.shrsi %add3A_54, %shift_right_arithmetic3A_62 : vector<1x2048xi32>
    %and3A_64 = arith.constant 31 : i32
    %and3A_65 = vector.broadcast %and3A_64 : i32 to vector<1x2048xi32>
    %and3A_66 = arith.andi %shift_right_arithmetic3A_63, %and3A_65 : vector<1x2048xi32>
    %convert_element_type3A_67 = arith.sitofp %and3A_66 : vector<1x2048xi32> to vector<1x2048xf32>
    %and3A_68 = arith.constant 31 : i32
    %and3A_69 = vector.broadcast %and3A_68 : i32 to vector<1x2048xi32>
    %and3A_70 = arith.andi %add3A_54, %and3A_69 : vector<1x2048xi32>
    %convert_element_type3A_71 = arith.sitofp %and3A_70 : vector<1x2048xi32> to vector<1x2048xf32>
    %get3A_72 = arith.constant 0 : index
    %get3A_73 = arith.constant 0 : index
    %get3A_74 = arith.constant 0 : index
    %get3A_75 = vector.load %arg2[%get3A_72, %get3A_73, %get3A_74] : memref<1x1x64xi32, #tpu.memory_space<vmem>>, vector<1x1x64xi32>
    %get3A_76 = vector.shape_cast %get3A_75 : vector<1x1x64xi32> to vector<64xi32>
    %broadcast_in_dim3A_77 = vector.shape_cast %get3A_76 : vector<64xi32> to vector<64x1xi32>
    %shift_right_arithmetic3A_78 = arith.constant 10 : i32
    %shift_right_arithmetic3A_79 = vector.broadcast %shift_right_arithmetic3A_78 : i32 to vector<64x1xi32>
    %shift_right_arithmetic3A_80 = arith.shrsi %broadcast_in_dim3A_77, %shift_right_arithmetic3A_79 : vector<64x1xi32>
    %convert_element_type3A_81 = arith.sitofp %shift_right_arithmetic3A_80 : vector<64x1xi32> to vector<64x1xf32>
    %mul3A_82 = arith.constant 2.000000e+00 : f32
    %mul3A_83 = vector.broadcast %mul3A_82 : f32 to vector<64x1xf32>
    %mul3A_84 = arith.mulf %mul3A_83, %convert_element_type3A_81 : vector<64x1xf32>
    %shift_right_arithmetic3A_85 = arith.constant 5 : i32
    %shift_right_arithmetic3A_86 = vector.broadcast %shift_right_arithmetic3A_85 : i32 to vector<64x1xi32>
    %shift_right_arithmetic3A_87 = arith.shrsi %broadcast_in_dim3A_77, %shift_right_arithmetic3A_86 : vector<64x1xi32>
    %and3A_88 = arith.constant 31 : i32
    %and3A_89 = vector.broadcast %and3A_88 : i32 to vector<64x1xi32>
    %and3A_90 = arith.andi %shift_right_arithmetic3A_87, %and3A_89 : vector<64x1xi32>
    %convert_element_type3A_91 = arith.sitofp %and3A_90 : vector<64x1xi32> to vector<64x1xf32>
    %and3A_92 = arith.constant 31 : i32
    %and3A_93 = vector.broadcast %and3A_92 : i32 to vector<64x1xi32>
    %and3A_94 = arith.andi %broadcast_in_dim3A_77, %and3A_93 : vector<64x1xi32>
    %convert_element_type3A_95 = arith.sitofp %and3A_94 : vector<64x1xi32> to vector<64x1xf32>
    %sub3A = vector.broadcast %mul3A_60 : vector<1x2048xf32> to vector<64x2048xf32>
    %sub3A_96 = vector.broadcast %mul3A_84 : vector<64x1xf32> to vector<64x2048xf32>
    %sub3A_97 = arith.subf %sub3A, %sub3A_96 : vector<64x2048xf32>
    %sub3A_98 = vector.broadcast %convert_element_type3A_67 : vector<1x2048xf32> to vector<64x2048xf32>
    %sub3A_99 = vector.broadcast %convert_element_type3A_91 : vector<64x1xf32> to vector<64x2048xf32>
    %sub3A_100 = arith.subf %sub3A_98, %sub3A_99 : vector<64x2048xf32>
    %sub3A_101 = vector.broadcast %convert_element_type3A_71 : vector<1x2048xf32> to vector<64x2048xf32>
    %sub3A_102 = vector.broadcast %convert_element_type3A_95 : vector<64x1xf32> to vector<64x2048xf32>
    %sub3A_103 = arith.subf %sub3A_101, %sub3A_102 : vector<64x2048xf32>
    %mul3A_104 = arith.mulf %sub3A_97, %sub3A_97 : vector<64x2048xf32>
    %mul3A_105 = arith.mulf %sub3A_100, %sub3A_100 : vector<64x2048xf32>
    %add3A_106 = arith.addf %mul3A_104, %mul3A_105 : vector<64x2048xf32>
    %mul3A_107 = arith.mulf %sub3A_103, %sub3A_103 : vector<64x2048xf32>
    %add3A_108 = arith.addf %add3A_106, %mul3A_107 : vector<64x2048xf32>
    %sqrt3A_109 = math.sqrt %add3A_108 : vector<64x2048xf32>
    %sub3A_110 = arith.constant 3.000000e+01 : f32
    %sub3A_111 = vector.broadcast %sub3A_110 : f32 to vector<64x1xf32>
    %sub3A_112 = arith.subf %sub3A_111, %mul3A_84 : vector<64x1xf32>
    %max3A_113 = arith.maximumf %mul3A_84, %sub3A_112 : vector<64x1xf32>
    %sub3A_114 = arith.constant 3.100000e+01 : f32
    %sub3A_115 = vector.broadcast %sub3A_114 : f32 to vector<64x1xf32>
    %sub3A_116 = arith.subf %sub3A_115, %convert_element_type3A_91 : vector<64x1xf32>
    %max3A_117 = arith.maximumf %convert_element_type3A_91, %sub3A_116 : vector<64x1xf32>
    %sub3A_118 = arith.constant 3.100000e+01 : f32
    %sub3A_119 = vector.broadcast %sub3A_118 : f32 to vector<64x1xf32>
    %sub3A_120 = arith.subf %sub3A_119, %convert_element_type3A_95 : vector<64x1xf32>
    %max3A_121 = arith.maximumf %convert_element_type3A_95, %sub3A_120 : vector<64x1xf32>
    %mul3A_122 = arith.mulf %max3A_113, %max3A_113 : vector<64x1xf32>
    %mul3A_123 = arith.mulf %max3A_117, %max3A_117 : vector<64x1xf32>
    %add3A_124 = arith.addf %mul3A_122, %mul3A_123 : vector<64x1xf32>
    %mul3A_125 = arith.mulf %max3A_121, %max3A_121 : vector<64x1xf32>
    %add3A_126 = arith.addf %add3A_124, %mul3A_125 : vector<64x1xf32>
    %sqrt3A_127 = math.sqrt %add3A_126 : vector<64x1xf32>
    %add3A_128 = arith.constant 9.99999993E-9 : f32
    %add3A_129 = vector.broadcast %add3A_128 : f32 to vector<64x1xf32>
    %add3A_130 = arith.addf %sqrt3A_127, %add3A_129 : vector<64x1xf32>
    %div3A_131 = vector.broadcast %add3A_130 : vector<64x1xf32> to vector<64x2048xf32>
    %div3A_132 = arith.divf %sqrt3A_109, %div3A_131 : vector<64x2048xf32>
    %mul3A_133 = arith.constant 0.899999976 : f32
    %mul3A_134 = vector.broadcast %mul3A_133 : f32 to vector<64x2048xf32>
    %mul3A_135 = arith.mulf %mul3A_134, %div3A_50 : vector<64x2048xf32>
    %sub3A_136 = arith.constant 1.000000e+00 : f32
    %sub3A_137 = vector.broadcast %sub3A_136 : f32 to vector<64x2048xf32>
    %sub3A_138 = arith.subf %sub3A_137, %div3A_132 : vector<64x2048xf32>
    %mul3A_139 = arith.constant 1.000000e-01 : f32
    %mul3A_140 = vector.broadcast %mul3A_139 : f32 to vector<64x2048xf32>
    %mul3A_141 = arith.mulf %mul3A_140, %sub3A_138 : vector<64x2048xf32>
    %add3A_142 = arith.addf %mul3A_135, %mul3A_141 : vector<64x2048xf32>
    %swap3A = arith.constant 0 : index
    %swap3A_143 = arith.constant 0 : index
    %swap3A_144 = arith.constant 0 : index
    %swap3A_145 = vector.load %arg7[%swap3A, %swap3A_143, %swap3A_144] : memref<1x64x2048xf32, #tpu.memory_space<vmem>>, vector<1x64x2048xf32>
    %swap3A_146 = vector.shape_cast %swap3A_145 : vector<1x64x2048xf32> to vector<64x2048xf32>
    %swap3A_147 = vector.shape_cast %add3A_142 : vector<64x2048xf32> to vector<1x64x2048xf32>
    tpu.vector_store %arg7[%swap3A, %swap3A_143, %swap3A_144], %swap3A_147 {strides = array<i32>} : memref<1x64x2048xf32, #tpu.memory_space<vmem>>, vector<1x64x2048xf32>,
    return
  }
  func.func @transform_0(%arg0: i32, %arg1: i32) -> (i32, i32, i32) {
    %c0_i32 = arith.constant 0 : i32
    %c0_i32_0 = arith.constant 0 : i32
    %c0_i32_1 = arith.constant 0 : i32
    return %arg0, %c0_i32, %c0_i32_0 : i32, i32, i32
  }
  func.func @transform_1(%arg0: i32, %arg1: i32) -> (i32, i32, i32) {
    %c0_i32 = arith.constant 0 : i32
    %c0_i32_0 = arith.constant 0 : i32
    %c0_i32_1 = arith.constant 0 : i32
    return %arg0, %c0_i32, %c0_i32_0 : i32, i32, i32
  }
  func.func @transform_2(%arg0: i32, %arg1: i32) -> (i32, i32, i32) {
    %c0_i32 = arith.constant 0 : i32
    %c0_i32_0 = arith.constant 0 : i32
    return %arg0, %arg1, %c0_i32 : i32, i32, i32
  }
  func.func @transform_3(%arg0: i32, %arg1: i32) -> (i32, i32, i32) {
    %c0_i32 = arith.constant 0 : i32
    %c0_i32_0 = arith.constant 0 : i32
    return %arg0, %arg1, %c0_i32 : i32, i32, i32
  }
  func.func @transform_4(%arg0: i32, %arg1: i32) -> i32 {
    %c0_i32 = arith.constant 0 : i32
    %c0_i32_0 = arith.constant 0 : i32
    return %c0_i32 : i32
  }
  func.func @transform_5(%arg0: i32, %arg1: i32) -> (i32, i32, i32) {
    %c0_i32 = arith.constant 0 : i32
    %c0_i32_0 = arith.constant 0 : i32
    return %arg0, %c0_i32, %arg1 : i32, i32, i32
  }
}

module attributes {stable_mosaic.version = 14 : i64} {
  func.func @_kt(%arg0: i32, %arg1: memref<1x64x16384xf32, #tpu.memory_space<vmem>>, %arg2: memref<1x1x64xf32, #tpu.memory_space<vmem>>, %arg3: memref<1x1x64xi32, #tpu.memory_space<vmem>>, %arg4: memref<64x16384xf32, #tpu.memory_space<vmem>>) attributes {dimension_semantics = [#tpu.dimension_semantics<arbitrary>], iteration_bounds = array<i64: 4>, scalar_prefetch = 0 : i64, scratch_operands = 1 : i64, tpu.core_type = #tpu.core_type<tc>, window_params = [{transform_indices = @transform_0, window_bounds = array<i64: 1, 64, 16384>}, {transform_indices = @transform_1, window_bounds = array<i64: 1, 1, 64>}, {transform_indices = @transform_2, window_bounds = array<i64: 1, 1, 64>}]} {
    %get3A = arith.constant 0 : index
    %get3A_0 = arith.constant 0 : index
    %get3A_1 = arith.constant 0 : index
    %get3A_2 = vector.load %arg1[%get3A, %get3A_0, %get3A_1] : memref<1x64x16384xf32, #tpu.memory_space<vmem>>, vector<1x64x16384xf32>
    %get3A_3 = vector.shape_cast %get3A_2 : vector<1x64x16384xf32> to vector<64x16384xf32>
    %swap3A = arith.constant 0 : index
    %swap3A_4 = arith.constant 0 : index
    %swap3A_5 = vector.load %arg4[%swap3A, %swap3A_4] : memref<64x16384xf32, #tpu.memory_space<vmem>>, vector<64x16384xf32>
    tpu.vector_store %arg4[%swap3A, %swap3A_4], %get3A_3 {strides = array<i32>} : memref<64x16384xf32, #tpu.memory_space<vmem>>, vector<64x16384xf32>,
    %iota3A = tpu.iota {dimensions = array<i32: 1>} : vector<64x16384xi32>
    %broadcast_in_dim3A = arith.constant 0.000000e+00 : f32
    %broadcast_in_dim3A_6 = vector.broadcast %broadcast_in_dim3A : f32 to vector<64x1xf32>
    %broadcast_in_dim3A_7 = arith.constant 0 : i32
    %broadcast_in_dim3A_8 = vector.broadcast %broadcast_in_dim3A_7 : i32 to vector<64x1xi32>
    %scan3A = arith.constant 0 : i32
    %scan3A_9 = arith.constant 32 : i32
    %scan3A_10 = arith.addi %scan3A, %scan3A_9 : i32
    %scan3A_11 = arith.constant 1 : i32
    %scan3A_12:2 = scf.for %scan3A_26 = %scan3A to %scan3A_10 step %scan3A_11 iter_args(%scan3A_27 = %broadcast_in_dim3A_6, %scan3A_28 = %broadcast_in_dim3A_8) -> (vector<64x1xf32>, vector<64x1xi32>)  : i32 {
      %get3A_29 = arith.constant 0 : index
      %get3A_30 = arith.constant 0 : index
      %get3A_31 = vector.load %arg4[%get3A_29, %get3A_30] : memref<64x16384xf32, #tpu.memory_space<vmem>>, vector<64x16384xf32>
      %reduce_max3A = arith.constant dense<0xFF800000> : vector<64xf32>
      %reduce_max3A_32 = vector.multi_reduction <maximumf>, %get3A_31, %reduce_max3A [1] : vector<64x16384xf32> to vector<64xf32>
      %broadcast_in_dim3A_33 = vector.shape_cast %reduce_max3A_32 : vector<64xf32> to vector<64x1xf32>
      %eq3A = vector.broadcast %broadcast_in_dim3A_33 : vector<64x1xf32> to vector<64x16384xf32>
      %eq3A_34 = arith.cmpf oeq, %get3A_31, %eq3A : vector<64x16384xf32>
      %jit3A = arith.constant 1073741824 : i32
      %broadcast_in_dim3A_35 = vector.broadcast %jit3A : i32 to vector<64x16384xi32>
      %select_n3A = arith.select %eq3A_34, %iota3A, %broadcast_in_dim3A_35 : vector<64x16384xi1>, vector<64x16384xi32>
      %reduce_min3A = arith.constant dense<2147483647> : vector<64xi32>
      %reduce_min3A_36 = vector.multi_reduction <minsi>, %select_n3A, %reduce_min3A [1] : vector<64x16384xi32> to vector<64xi32>
      %broadcast_in_dim3A_37 = vector.shape_cast %reduce_min3A_36 : vector<64xi32> to vector<64x1xi32>
      %eq3A_38 = vector.broadcast %broadcast_in_dim3A_37 : vector<64x1xi32> to vector<64x16384xi32>
      %eq3A_39 = arith.cmpi eq, %iota3A, %eq3A_38 : vector<64x16384xi32>
      %jit3A_40 = arith.constant 0xFF800000 : f32
      %broadcast_in_dim3A_41 = vector.broadcast %jit3A_40 : f32 to vector<64x16384xf32>
      %select_n3A_42 = arith.select %eq3A_39, %broadcast_in_dim3A_41, %get3A_31 : vector<64x16384xi1>, vector<64x16384xf32>
      %swap3A_43 = arith.constant 0 : index
      %swap3A_44 = arith.constant 0 : index
      %swap3A_45 = vector.load %arg4[%swap3A_43, %swap3A_44] : memref<64x16384xf32, #tpu.memory_space<vmem>>, vector<64x16384xf32>
      tpu.vector_store %arg4[%swap3A_43, %swap3A_44], %select_n3A_42 {strides = array<i32>} : memref<64x16384xf32, #tpu.memory_space<vmem>>, vector<64x16384xf32>,
      scf.yield %broadcast_in_dim3A_33, %broadcast_in_dim3A_37 : vector<64x1xf32>, vector<64x1xi32>
    }
    %reshape3A = vector.shape_cast %scan3A_12#0 : vector<64x1xf32> to vector<1x64xf32>
    %swap3A_13 = arith.constant 0 : index
    %swap3A_14 = arith.constant 0 : index
    %swap3A_15 = arith.constant 0 : index
    %swap3A_16 = vector.load %arg2[%swap3A_13, %swap3A_14, %swap3A_15] : memref<1x1x64xf32, #tpu.memory_space<vmem>>, vector<1x1x64xf32>
    %swap3A_17 = vector.shape_cast %swap3A_16 : vector<1x1x64xf32> to vector<1x64xf32>
    %swap3A_18 = vector.shape_cast %reshape3A : vector<1x64xf32> to vector<1x1x64xf32>
    tpu.vector_store %arg2[%swap3A_13, %swap3A_14, %swap3A_15], %swap3A_18 {strides = array<i32>} : memref<1x1x64xf32, #tpu.memory_space<vmem>>, vector<1x1x64xf32>,
    %reshape3A_19 = vector.shape_cast %scan3A_12#1 : vector<64x1xi32> to vector<1x64xi32>
    %swap3A_20 = arith.constant 0 : index
    %swap3A_21 = arith.constant 0 : index
    %swap3A_22 = arith.constant 0 : index
    %swap3A_23 = vector.load %arg3[%swap3A_20, %swap3A_21, %swap3A_22] : memref<1x1x64xi32, #tpu.memory_space<vmem>>, vector<1x1x64xi32>
    %swap3A_24 = vector.shape_cast %swap3A_23 : vector<1x1x64xi32> to vector<1x64xi32>
    %swap3A_25 = vector.shape_cast %reshape3A_19 : vector<1x64xi32> to vector<1x1x64xi32>
    tpu.vector_store %arg3[%swap3A_20, %swap3A_21, %swap3A_22], %swap3A_25 {strides = array<i32>} : memref<1x1x64xi32, #tpu.memory_space<vmem>>, vector<1x1x64xi32>,
    return
  }
  func.func @transform_0(%arg0: i32) -> (i32, i32, i32) {
    %c0_i32 = arith.constant 0 : i32
    %c0_i32_0 = arith.constant 0 : i32
    %c0_i32_1 = arith.constant 0 : i32
    return %arg0, %c0_i32, %c0_i32_0 : i32, i32, i32
  }
  func.func @transform_1(%arg0: i32) -> (i32, i32, i32) {
    %c0_i32 = arith.constant 0 : i32
    %c0_i32_0 = arith.constant 0 : i32
    %c0_i32_1 = arith.constant 0 : i32
    return %arg0, %c0_i32, %c0_i32_0 : i32, i32, i32
  }
  func.func @transform_2(%arg0: i32) -> (i32, i32, i32) {
    %c0_i32 = arith.constant 0 : i32
    %c0_i32_0 = arith.constant 0 : i32
    %c0_i32_1 = arith.constant 0 : i32
    return %arg0, %c0_i32, %c0_i32_0 : i32, i32, i32
  }
}

module attributes {stable_mosaic.version = 14 : i64} {
  func.func @_kc(%arg0: i32, %arg1: i32, %arg2: memref<1x64x2048xf32, #tpu.memory_space<vmem>>, %arg3: memref<1x1x64xf32, #tpu.memory_space<vmem>>, %arg4: memref<1x1x64xi32, #tpu.memory_space<vmem>>, %arg5: memref<1x2048x64xf32, #tpu.memory_space<vmem>>) attributes {dimension_semantics = [#tpu.dimension_semantics<arbitrary>, #tpu.dimension_semantics<arbitrary>], iteration_bounds = array<i64: 4, 8>, scalar_prefetch = 0 : i64, scratch_operands = 0 : i64, tpu.core_type = #tpu.core_type<tc>, window_params = [{transform_indices = @transform_0, window_bounds = array<i64: 1, 64, 2048>}, {transform_indices = @transform_1, window_bounds = array<i64: 1, 1, 64>}, {transform_indices = @transform_2, window_bounds = array<i64: 1, 1, 64>}, {transform_indices = @transform_3, window_bounds = array<i64: 1, 2048, 64>}]} {
    %get3A = arith.constant 0 : index
    %get3A_0 = arith.constant 0 : index
    %get3A_1 = arith.constant 0 : index
    %get3A_2 = vector.load %arg2[%get3A, %get3A_0, %get3A_1] : memref<1x64x2048xf32, #tpu.memory_space<vmem>>, vector<1x64x2048xf32>
    %get3A_3 = vector.shape_cast %get3A_2 : vector<1x64x2048xf32> to vector<64x2048xf32>
    %get3A_4 = arith.constant 0 : index
    %get3A_5 = arith.constant 0 : index
    %get3A_6 = arith.constant 0 : index
    %get3A_7 = vector.load %arg3[%get3A_4, %get3A_5, %get3A_6] : memref<1x1x64xf32, #tpu.memory_space<vmem>>, vector<1x1x64xf32>
    %get3A_8 = vector.shape_cast %get3A_7 : vector<1x1x64xf32> to vector<64xf32>
    %broadcast_in_dim3A = vector.shape_cast %get3A_8 : vector<64xf32> to vector<64x1xf32>
    %get3A_9 = arith.constant 0 : index
    %get3A_10 = arith.constant 0 : index
    %get3A_11 = arith.constant 0 : index
    %get3A_12 = vector.load %arg4[%get3A_9, %get3A_10, %get3A_11] : memref<1x1x64xi32, #tpu.memory_space<vmem>>, vector<1x1x64xi32>
    %get3A_13 = vector.shape_cast %get3A_12 : vector<1x1x64xi32> to vector<64xi32>
    %broadcast_in_dim3A_14 = vector.shape_cast %get3A_13 : vector<64xi32> to vector<64x1xi32>
    %mul3A = arith.constant 2048 : i32
    %mul3A_15 = arith.muli %arg1, %mul3A : i32
    %iota3A = tpu.iota {dimensions = array<i32: 1>} : vector<1x2048xi32>
    %add3A = vector.broadcast %mul3A_15 : i32 to vector<1x2048xi32>
    %add3A_16 = arith.addi %add3A, %iota3A : vector<1x2048xi32>
    %gt3A = vector.broadcast %broadcast_in_dim3A : vector<64x1xf32> to vector<64x2048xf32>
    %gt3A_17 = arith.cmpf ogt, %get3A_3, %gt3A : vector<64x2048xf32>
    %eq3A = vector.broadcast %broadcast_in_dim3A : vector<64x1xf32> to vector<64x2048xf32>
    %eq3A_18 = arith.cmpf oeq, %get3A_3, %eq3A : vector<64x2048xf32>
    %le3A = vector.broadcast %add3A_16 : vector<1x2048xi32> to vector<64x2048xi32>
    %le3A_19 = vector.broadcast %broadcast_in_dim3A_14 : vector<64x1xi32> to vector<64x2048xi32>
    %le3A_20 = arith.cmpi sle, %le3A, %le3A_19 : vector<64x2048xi32>
    %and3A = arith.andi %eq3A_18, %le3A_20 : vector<64x2048xi1>
    %or3A = arith.ori %gt3A_17, %and3A : vector<64x2048xi1>
    %convert_element_type3A = arith.extui %or3A : vector<64x2048xi1> to vector<64x2048xi32>
    %convert_element_type3A_21 = arith.sitofp %convert_element_type3A : vector<64x2048xi32> to vector<64x2048xf32>
    %transpose3A = tpu.transpose %convert_element_type3A_21, [1, 0] : vector<64x2048xf32> -> vector<2048x64xf32>
    %swap3A = arith.constant 0 : index
    %swap3A_22 = arith.constant 0 : index
    %swap3A_23 = arith.constant 0 : index
    %swap3A_24 = vector.load %arg5[%swap3A, %swap3A_22, %swap3A_23] : memref<1x2048x64xf32, #tpu.memory_space<vmem>>, vector<1x2048x64xf32>
    %swap3A_25 = vector.shape_cast %swap3A_24 : vector<1x2048x64xf32> to vector<2048x64xf32>
    %swap3A_26 = vector.shape_cast %transpose3A : vector<2048x64xf32> to vector<1x2048x64xf32>
    tpu.vector_store %arg5[%swap3A, %swap3A_22, %swap3A_23], %swap3A_26 {strides = array<i32>} : memref<1x2048x64xf32, #tpu.memory_space<vmem>>, vector<1x2048x64xf32>,
    return
  }
  func.func @transform_0(%arg0: i32, %arg1: i32) -> (i32, i32, i32) {
    %c0_i32 = arith.constant 0 : i32
    %c0_i32_0 = arith.constant 0 : i32
    return %arg0, %c0_i32, %arg1 : i32, i32, i32
  }
  func.func @transform_1(%arg0: i32, %arg1: i32) -> (i32, i32, i32) {
    %c0_i32 = arith.constant 0 : i32
    %c0_i32_0 = arith.constant 0 : i32
    %c0_i32_1 = arith.constant 0 : i32
    return %arg0, %c0_i32, %c0_i32_0 : i32, i32, i32
  }
  func.func @transform_2(%arg0: i32, %arg1: i32) -> (i32, i32, i32) {
    %c0_i32 = arith.constant 0 : i32
    %c0_i32_0 = arith.constant 0 : i32
    %c0_i32_1 = arith.constant 0 : i32
    return %arg0, %c0_i32, %c0_i32_0 : i32, i32, i32
  }
  func.func @transform_3(%arg0: i32, %arg1: i32) -> (i32, i32, i32) {
    %c0_i32 = arith.constant 0 : i32
    %c0_i32_0 = arith.constant 0 : i32
    return %arg0, %arg1, %c0_i32 : i32, i32, i32
  }
}

</mosaic_0001>

<sc_bundles>
// kernel: kernel.8.cloned.1.call-start
scs
__scs_entry_jumppad:
0x0: {  	(pc) =	sbr.rel $0x88, $3  }
0x1: {  	(tag) =	ssettag $0x0;
	lr =	simm.s32 $0x1  }
0x2: {  	[smem:$0x3F9E] =	sst lr;
	_ =	strace $0xD0000000  }
0x3: {  	_ = 	snop  }
0x4: {  	_ = 	snop  }
0x5: {  	_ = 	snop  }
0x6: {  	_ = 	snop  }
0x7: {  	_ = 	snop  }
__scs_overlays_trampoline_lowered:
0x8: {  	[smem:$0x3FAD] =	sst s0  }
0x9: {  	[smem:$0x3FAE] =	sst s1  }
0xa: {  	[smem:$0x3FAF] =	sst s2  }
0xb: {  	[smem:$0x3FB0] =	sst s3  }
0xc: {  	[smem:$0x3FB1] =	sst s4  }
0xd: {  	[smem:$0x3FB2] =	sst s5  }
0xe: {  	[smem:$0x3FB3] =	sst s6  }
0xf: {  	[smem:$0x3FB4] =	sst s7  }
0x10: {  	[smem:$0x3FB5] =	sst s8  }
0x11: {  	[smem:$0x3FB6] =	sst s9;
	s0 =	simm.s32 @!p0 $0x0  }
0x12: {  	s1 =	sld [smem:$0x3F9C];
	s0 =	simm.s32 @p0 $0x1  }
0x13: {  	[smem:$0x3FB7] =	sst s0;
	s0 =	simm.s32 @!p1 $0x0  }
0x14: {  	s2 =	sld [smem:$0x3F9B];
	s0 =	simm.s32 @p1 $0x1  }
0x15: {  	[smem:$0x3FB8] =	sst s0;
	s0 =	simm.s32 @!p2 $0x0  }
0x16: {  	s3 =	sld [smem:$0x3FDB];
	s0 =	simm.s32 @p2 $0x1  }
0x17: {  	s4 =	simm.s32 $0x1BF5;
	[smem:$0x3FBA] =	sst s0  }
0x18: {  	s0 =	sld [smem:$0x3F9D];
	_ =	swait.ge [sflag:s4], $0x0  }
0x19: {  	s7 =	sld [smem:$0x3F9E]  }
0x1a: {  	s8 =	sadd.s32 $0xFFFFE003, lr  }
0x1b: {  	s9 =	sadd.s32 $0xFFFFFEF7, lr;
	s5 =	simm.s32 $0xFFFFFFFF;
	p2 =	slt.u32 s8, $0xFFFFF086  }
0x1c: {  	p1 =	slt.u32 s9, $0xF7A;
	s5 =	simm.s32 @!p2 $0x0  }
0x1d: {  	s5 =	simm.s32 @p1 $0x1;
	p0 =	seq.s32 s7, s2  }
0x1e: {  	s7 =	smul.u32 @!p0 $0xF7A, s2;
	p2 =	seq.s32 @!p0 s5, $0x0  }
0x1f: {  	s9 =	smul.u32 $0xF7A, s1;
	s8 =	simm.s32 @!p0 $0x1BF5;
	p2 =	por !p2, p0  }
0x20: {  	[sflag:s8] =	ssyncset.s32 @!p0 $0xFFFFF086;
	s6 =	sadd.s32 @!p0 s3, s7;
	s7 =	simm.s32 @!p0 $0x108  }
0x21: {  	s3 =	sadd.s32 s3, s9;
	s6 =	sadd.s32 @!p0 $0x88, s6;
	s7 =	simm.s32 @p2 $0x1082  }
0x22: {  	[simem:s7], [sflag:s8] =	dma.local @!p0 [hbm:s6], $0xF7A  }
0x23: {  	s9 =	sor.u32 $0xD0000000, s2;
	s6 =	simm.s32 $0x108;
	_ =	swait.ge @!p0 [sflag:s8], $0x0  }
0x24: {  	s3 =	sadd.s32 $0x88, s3;
	s6 =	simm.s32 @!p1 $0x1082;
	[sflag:s4] =	ssyncset.s32 $0xFFFFF086  }
0x25: {  	[simem:s6], [sflag:s4] =	dma.local [hbm:s3], $0xF7A  }
0x26: {  	[smem:$0x3F9E] =	sst s1;
	(tag) =	ssettag s2;
	_ =	strace s9  }
0x27: {  	s1 =	sld [smem:$0x3FAE]  }
0x28: {  	s2 =	sld [smem:$0x3FAF]  }
0x29: {  	s4 =	sld [smem:$0x3FB1]  }
0x2a: {  	p0 =	seq.s32 s5, $0x0;
	s5 =	sld [smem:$0x3FB2]  }
0x2b: {  	s6 =	sld [smem:$0x3FB3]  }
0x2c: {  	s7 =	sld [smem:$0x3FB4]  }
0x2d: {  	s3 =	simm.s32 $0x108;
	s8 =	sld [smem:$0x3FB5]  }
0x2e: {  	s3 =	simm.s32 @!p0 $0x1082;
	s9 =	sld [smem:$0x3FB6]  }
0x2f: {  	lr =	sadd.s32 s0, s3;
	s0 =	sld [smem:$0x3FAD]  }
0x30: {  	s3 =	sld [smem:$0x3FB0]  }
0x31: {  	[smem:$0x3FB9] =	sst s10  }
0x32: {  	s10 =	sld [smem:$0x3FB7];
	_ =	sdelay $0x3  }
0x33: {  	p0 =	seq.s32 s10, $0x1;
	s10 =	sld [smem:$0x3FB9];
	_ =	sdelay $0x3  }
0x34: {  	[smem:$0x3FB9] =	sst s10  }
0x35: {  	s10 =	sld [smem:$0x3FB8];
	_ =	sdelay $0x3  }
0x36: {  	p1 =	seq.s32 s10, $0x1;
	s10 =	sld [smem:$0x3FB9];
	_ =	sdelay $0x3  }
0x37: {  	[smem:$0x3FB9] =	sst s10  }
0x38: {  	s10 =	sld [smem:$0x3FBA]  }
0x39: {  	_ = 	snop;
	(pc) =	sbr.ind lr, $3  }
0x3a: {  	_ = 	snop  }
0x3b: {  	_ = 	snop  }
0x3c: {  	p2 =	seq.s32 s10, $0x1;
	s10 =	sld [smem:$0x3FB9]  }
0x3d: {  	_ =	shalt  }
0x3e: {  	_ =	shalt  }
0x3f: {  	_ =	shalt  }
0x40: {  	_ =	shalt  }
0x41: {  	_ =	shalt  }
0x42: {  	_ =	shalt  }
0x43: {  	_ =	shalt  }
0x44: {  	_ =	shalt  }
0x45: {  	_ =	shalt  }
0x46: {  	_ =	shalt  }
0x47: {  	_ =	shalt  }
0x48: {  	_ =	shalt  }
0x49: {  	_ =	shalt  }
0x4a: {  	_ =	shalt  }
0x4b: {  	_ =	shalt  }
0x4c: {  	_ =	shalt  }
0x4d: {  	_ =	shalt  }
0x4e: {  	_ =	shalt  }
0x4f: {  	_ =	shalt  }
0x50: {  	_ =	shalt  }
0x51: {  	_ =	shalt  }
0x52: {  	_ =	shalt  }
0x53: {  	_ =	shalt  }
0x54: {  	_ =	shalt  }
0x55: {  	_ =	shalt  }
0x56: {  	_ =	shalt  }
0x57: {  	_ =	shalt  }
0x58: {  	_ =	shalt  }
0x59: {  	_ =	shalt  }
0x5a: {  	_ =	shalt  }
0x5b: {  	_ =	shalt  }
0x5c: {  	_ =	shalt  }
0x5d: {  	_ =	shalt  }
0x5e: {  	_ =	shalt  }
0x5f: {  	_ =	shalt  }
0x60: {  	_ =	shalt  }
0x61: {  	_ =	shalt  }
0x62: {  	_ =	shalt  }
0x63: {  	_ =	shalt  }
0x64: {  	_ =	shalt  }
0x65: {  	_ =	shalt  }
0x66: {  	_ =	shalt  }
0x67: {  	_ =	shalt  }
0x68: {  	_ =	shalt  }
0x69: {  	_ =	shalt  }
0x6a: {  	_ =	shalt  }
0x6b: {  	_ =	shalt  }
0x6c: {  	_ =	shalt  }
0x6d: {  	_ =	shalt  }
0x6e: {  	_ =	shalt  }
0x6f: {  	_ =	shalt  }
0x70: {  	_ =	shalt  }
0x71: {  	_ =	shalt  }
0x72: {  	_ =	shalt  }
0x73: {  	_ =	shalt  }
0x74: {  	_ =	shalt  }
0x75: {  	_ =	shalt  }
0x76: {  	_ =	shalt  }
0x77: {  	_ =	shalt  }
0x78: {  	_ =	shalt  }
0x79: {  	_ =	shalt  }
0x7a: {  	_ =	shalt  }
0x7b: {  	_ =	shalt  }
0x7c: {  	_ =	shalt  }
0x7d: {  	_ =	shalt  }
0x7e: {  	_ =	shalt  }
0x7f: {  	_ =	shalt  }
0x80: {  	_ =	shalt  }
0x81: {  	_ =	shalt  }
0x82: {  	_ =	shalt  }
0x83: {  	_ =	shalt  }
0x84: {  	_ =	shalt  }
0x85: {  	_ =	shalt  }
0x86: {  	_ =	shalt  }
0x87: {  	_ =	shalt  }
.Lfunc_end0:
.L_simem_size_0:
called_computation_lowered:
.L_overlay_start_0:
0x88: {  	s2 =	sld [smem:$0x3FD9]  }
0x89: {  	s3 =	sld [smem:$0x3FFE];
	_ =	sdelay $0x1  }
0x8a: {  	s1 =	srdreg.scid  }
0x8b: {  	s0 =	sand.u32 $0x1, s1  }
0x8c: {  	s17 =	sshll.u32 s0, $0xA;
	s2 =	sadd.s32 s3, s2  }
0x8d: {  	s2 =	sadd.s32 s2, s17  }
0x8e: {  	[smem:$0x3FC5] =	sst s2  }
0x8f: {  	_ = 	snop  }
0x90: {  	s2 =	sld [smem:$0x3FC9]  }
0x91: {  	s18 =	sld [smem:$0x3FD0];
	(tm) =	ssettm $0x1  }
0x92: {  	s4 =	sld [smem:$0x3FFB];
	_ =	sdelay $0x3  }
0x93: {  	_ =	strace s4  }
0x94: {  	s4 =	sld [smem:$0x3FFC];
	_ =	sdelay $0x3  }
0x95: {  	_ =	strace s4  }
0x96: {  	s4 =	sld [smem:$0x3FFD];
	_ =	sdelay $0x3  }
0x97: {  	_ =	strace s4  }
0x98: {  	_ =	strace $0x8FFFFFFF  }
0x99: {  	s19 =	sld [smem:$0x3FDB];
	_ =	sdelay $0x1  }
0x9a: {  	s5 =	simm.s32 $_scs_section_size  }
0x9b: {  	s6 =	simm.s32 $_size__tile_overlayer_lowered;
	s7 =	simm.s32 $_tile_overlayer_lowered  }
0x9c: {  	s22 =	simm.s32 $0x1BFF;
	s21 =	sshll.u32 s7, $0x1;
	s4 =	sadd.s32 s5, s19  }
0x9d: {  	s8 =	simm.s32 $0x0;
	s20 =	sshll.u32 s6, $0x1;
	s6 =	sadd.s32 s21, s4  }
0x9e: {  	[timem:s8], [sflag:s22] =	dma.local [hbm:s6], s20  }
0x9f: {  	_ =	swait.ge [sflag:s22], s20  }
0xa0: {  	s5 =	ssub.s32 $0x0, s20;
	[sflag:s22] =	ssyncset.done $0x0  }
0xa1: {  	[sflag:s22] =	ssyncadd.s32 s5;
	_ =	sdelay $0x1  }
0xa2: {  	s23 =	simm.s32 $0x1B8B  }
0xa3: {  	_ =	swait.ge [sflag:s23], $0x1  }
0xa4: {  	[sflag:s23] =	ssyncset.done $0x0  }
0xa5: {  	s25 =	simm.s32 $0x1B8E;
	s24 =	sld [smem:$0x3FFE];
	[sflag:s23] =	ssyncadd.s32 $0xFFFFFFFF  }
0xa6: {  	s26 =	simm.s32 $execute0_lowered;
	[smem:$0x3FD2] =	sst s25  }
0xa7: {  	s6 =	sshll.u32 s26, $0x1;
	_ =	strace $0x80000046;
	[dreg:$0x1] =	wrdreg $0xFFFFFFFF  }
0xa8: {  	s28 =	simm.s32 $_size_execute0_lowered;
	s4 =	sadd.s32 s4, s6;
	[dreg:$0x0] =	wrdreg $0x0  }
0xa9: {  	s6 =	sshll.u32 s28, $0x1;
	[dreg:$0x2] =	wrdreg s4  }
0xaa: {  	[dreg:$0x3] =	wrdreg s6  }
0xab: {  	[dreg:$0x4] =	wrdreg $0xC0  }
0xac: {  	_ =	task [dreg:s8], $0x5FFFF  }
0xad: {  	[dreg:$0x1] =	wrdreg $0xFFFFFFFF  }
0xae: {  	[dreg:$0x0] =	wrdreg $0x60  }
0xaf: {  	[dreg:$0x2] =	wrdreg s2  }
0xb0: {  	[dreg:$0x3] =	wrdreg s24  }
0xb1: {  	[dreg:$0x4] =	wrdreg s18  }
0xb2: {  	[dreg:$0x5] =	wrdreg $0x9  }
0xb3: {  	_ =	task.clear_ibuf [dreg:s8], $0x6FFFF;
	_ =	strace $0x90000046  }
0xb4: {  	s29 =	simm.s32 $0x9;
	_ =	strace $0x80000048  }
0xb5: {  	_ =	swait.ge [sflag:s29], $0x1  }
0xb6: {  	[sflag:s29] =	ssyncadd.s32 $0xFFFFFFFF  }
0xb7: {  	_ =	strace $0x90000048  }
0xb8: {  	_ =	sfence  }
0xb9: {  	s30 =	sld [smem:$0x0];
	_ =	sdelay $0x2  }
0xba: {  	s31 =	sshll.u32 s1, $0xD;
	s1 =	sshrl.u32 s1, $0x2  }
0xbb: {  	s3 =	sand.u32 $0x4000, s31;
	s1 =	sadd.s32 s1, s30  }
0xbc: {  	s0 =	sor.u32 s3, s0;
	s1 =	sshll.u32 s1, $0x11  }
0xbd: {  	s0 =	sor.u32 s1, s0  }
0xbe: {  	s0 =	sadd.s32 $0x8F2B, s0  }
0xbf: {  	[sflag:s0] =	ssyncadd.remote.s32 $0x1  }
0xc0: {  	_ =	sfence.sel $0xFFFF  }
0xc1: {  	[dreg:$0x0] =	wrdreg $0xFFFFFFFF;
	(pc) =	sbr.abs _section_cstart, $3  }
0xc2: {  	[dreg:$0x1] =	wrdreg $0xFFFFFFFF  }
0xc3: {  	_ =	task.clear_ibuf [dreg:s8], $0x2FFFF;
	_ =	strace $0x9FFFFFFF  }
0xc4: {  	(tm) =	ssettm $0x7FFFFFFF  }
0xc5: {  	_ =	shalt  }
tec
execute0_lowered:
.L_overlay_start_1:
0x0: {  	(tag) =	ssettag $0x1  }
0x1: {  	s2 =	srdreg.scid  }
0x2: {  	s1 =	rddreg [dreg:$0x0];
	s0 =	stileid.u32;
	s6 =	sand.u32 $0x1, s2  }
0x3: {  	s4 =	rddreg [dreg:$0x1];
	s30 =	sshll.u32 s0, $0x4;
	s3 =	sshll.u32 s6, $0x3  }
0x4: {  	s8 =	rddreg [dreg:$0x2];
	s9 =	sor.u32 s3, s30  }
0x5: {  	s2 =	rddreg [dreg:$0x3];
	s3 =	simm.s32 $0x0;
	s5 =	sshrl.u32 s9, $0x3  }
0x6: {  	[smem:$0x7FF] =	sst s3;
	s4 =	sadd.s32 s5, s4  }
0x7: {  	_ =	strace $0x80000047;
	s5 =	sadd.s32 $0x800, s4;
	s4 =	simm.s32 $0x2  }
0x8: {  	[tilespmem:s3], [sflag:$0x2] =	stream.linear.gather [hbm4b:s5+s3], $0x8, $0x38;
	[tilespmem:$0x880] =	vst v63  }
0x9: {  	_ =	swait.ge [sflag:s4], $0x8  }
0xa: {  	[sflag:s4] =	ssyncset.done $0x0  }
0xb: {  	[sflag:s4] =	ssyncadd.s32 $0xFFFFFFF8  }
0xc: {  	v0 =	vld.msk [tilespmem:$0x0], $0xff;
	_ =	sdelay $0x4  }
0xd: {  	v1 =	vshll.u32 v0, $0x1  }
0xe: {  	v2 =	vlaneseq.u32;
	v3 =	vand.u32 $0x7, v0;
	v1 =	vand.u32 $0xFFFFFFF0, v1  }
0xf: {  	v0 =	vand.u32 $0x7, v2;
	v2 =	vshrl.u32 v2, $0x3;
	v3 =	vor.u32 v3, v1  }
0x10: {  	v1 =	vmul.u32 $0x8, v2;
	v2 =	vperm.xlane v3, v0;
	_ =	sdelay $0x1  }
0x11: {  	v2 =	vadd.s32 v1, v2  }
0x12: {  	s10 =	ssub.s32 $0x2, s6  }
0x13: {  	s11 =	sshrl.u32 s10, $0x1  }
0x14: {  	s10 =	ssub.s32 s10, s11  }
0x15: {  	vm0 =	vmmov $0xffff;
	s7 =	simm.s32 $0x1;
	s6 =	simm.s32 $0x80;
	s31 =	smax.u32 s10, $0x1  }
0x16: {  	[tilespmem:s6], [sflag:$0x1] =	stream.indirect_vreg.gather [hbm4b:s1+s3], $0x80, v2, vm0, $0xb8;
	[tilespmem:$0x880] =	vst v63  }
0x17: {  	p0 =	sne.s32 s31, $0x1;
	_ =	swait.ge [sflag:s7], $0x800  }
.Ltmp0:
0x18: {  	s9 =	sshll.u32 s9, $0x5;
	[sflag:s7] =	ssyncset.done $0x0;
	(pc) =	sbr.rel @!p0 .LBB2_2-.Ltmp0, $4  }
0x19: {  	s8 =	sadd.s32 s8, s9;
	[sflag:s7] =	ssyncadd.s32 $0xFFFFF800  }
0x1a: {  	[hbm4b:s8+s3] =	stream.linear.scatter [tilespmem:s6], [sflag:$0x2], $0x800, $0x38;
	[tilespmem:$0x880] =	vst v63  }
0x1b: {  	_ =	swait.ge [sflag:s4], $0x800  }
0x1c: {  	s9 =	sadd.s32 $0xFFFFFFFF, s31;
	[sflag:s4] =	ssyncset.done $0x0  }
.LBB2_1:
0x1d: {  	p0 =	sne.s32 s9, $0x1;
	s9 =	sadd.s32 $0xFFFFFFFF, s9;
	[sflag:s4] =	ssyncadd.s32 $0xFFFFF800  }
0x1e: {  	[tilespmem:s3], [sflag:$0x2] =	stream.linear.gather [hbm4b:s5+s3], $0x8, $0x38;
	[tilespmem:$0x880] =	vst v63  }
0x1f: {  	_ =	swait.ge [sflag:s4], $0x8  }
0x20: {  	[sflag:s4] =	ssyncset.done $0x0  }
0x21: {  	[sflag:s4] =	ssyncadd.s32 $0xFFFFFFF8  }
0x22: {  	v2 =	vld.msk [tilespmem:$0x0], $0xff;
	_ =	sdelay $0x4  }
0x23: {  	v3 =	vshll.u32 v2, $0x1  }
0x24: {  	v2 =	vand.u32 $0x7, v2;
	v3 =	vand.u32 $0xFFFFFFF0, v3  }
0x25: {  	v2 =	vor.u32 v2, v3  }
0x26: {  	v2 =	vperm.xlane v2, v0;
	_ =	sdelay $0x1  }
0x27: {  	v2 =	vadd.s32 v1, v2;
	_ =	sdelay $0x4  }
0x28: {  	[tilespmem:s6], [sflag:$0x1] =	stream.indirect_vreg.gather [hbm4b:s1+s3], $0x80, v2, vm0, $0xb8;
	[tilespmem:$0x880] =	vst v63  }
0x29: {  	_ =	swait.ge [sflag:s7], $0x800  }
.Ltmp1:
0x2a: {  	[sflag:s7] =	ssyncset.done $0x0;
	(pc) =	sbr.rel @p0 .LBB2_1-.Ltmp1, $4  }
0x2b: {  	[sflag:s7] =	ssyncadd.s32 $0xFFFFF800  }
0x2c: {  	[hbm4b:s8+s3] =	stream.linear.scatter [tilespmem:s6], [sflag:$0x2], $0x800, $0x38;
	[tilespmem:$0x880] =	vst v63  }
0x2d: {  	_ =	swait.ge [sflag:s4], $0x800  }
0x2e: {  	[sflag:s4] =	ssyncset.done $0x0  }
.LBB2_2:
0x2f: {  	[sflag:s4] =	ssyncadd.s32 $0xFFFFF800  }
0x30: {  	_ =	sfence.sel $0x180000  }
0x31: {  	[bflag:$0x0] =	sbarrier.arrive $0xFFFF  }
0x32: {  	p0 =	sne.s32 s0, $0x0;
	_ =	strace $0x90000047  }
0x33: {  	s0 =	sadd.s32 @!p0 $0x100000, s2;
	[bflag:$0x2] =	sbarrier.arrive $0xFFFF  }
0x34: {  	[sflag:s0] =	ssyncadd.tile.s32 @!p0 $0x1;
	_ =	shalt  }
.Lfunc_end2:
_tile_overlayer_lowered:
.L_overlay_start_2:
0x35: {  	(tag) =	ssettag $0x2  }
0x36: {  	s0 =	rddreg [dreg:$0x0];
	s2 =	stileid.u32  }
0x37: {  	s1 =	rddreg [dreg:$0x1];
	p0 =	sne.s32 s2, $0x0  }
0x38: {  	s3 =	rddreg [dreg:$0x2];
	[bflag:$0x3] =	sbarrier.arrive $0xFFFF;
	s2 =	simm.s32 @!p0 $0x1C02  }
0x39: {  	[timem:s3], [sflag:s2] =	dma.local @!p0 [hbm:s0], s1  }
0x3a: {  	s0 =	simm.s32 @!p0 $0x2  }
0x3b: {  	_ =	swait.ge @!p0 [sflag:s0], s1  }
0x3c: {  	s1 =	ssub.s32 @!p0 $0x0, s1;
	[sflag:s0] =	ssyncset.done @!p0 $0x0  }
0x3d: {  	[sflag:s0] =	ssyncadd.s32 @!p0 s1  }
0x3e: {  	[bflag:$0x3] =	sbarrier.arrive $0xFFFF  }
0x3f: {  	_ =	shalt  }

</sc_bundles>
